<compile_context>
chip_gen: v7x
topology: tpu7x:2x2x1
jax: 0.10.2.dev20260603
libtpu: 0.0.44.dev20260713+nightly
codegen_flags: <defaults>
</compile_context>

<pallas_src>
import functools

import jax
import jax.numpy as jnp
from jax.experimental import pallas as pl
from jax.experimental.pallas import tpu as pltpu

_NCOPY = 8


def _body(c_ref, u_ref, pos_ref, o_ref, sems, usem, *, ncopy):
    bh = c_ref.shape[0]
    chunk = bh // ncopy
    copies = []
    for k in range(ncopy):
        sl = pl.ds(k * chunk, chunk)
        copies.append(
            pltpu.make_async_copy(c_ref.at[sl], o_ref.at[sl], sems.at[k])
        )
    for cp in copies:
        cp.start()
    for cp in copies:
        cp.wait()
    p = pos_ref[0]
    sl = u_ref.shape[1]
    cp2 = pltpu.make_async_copy(
        u_ref, o_ref.at[:, pl.ds(p, sl), :], usem
    )
    cp2.start()
    cp2.wait()


def kernel(cache, update, pos):
    b, h, s, d = cache.shape
    sl = update.shape[2]
    cache3 = cache.reshape(b * h, s, d)
    upd3 = update.reshape(b * h, sl, d)

    out3 = pl.pallas_call(
        functools.partial(_body, ncopy=_NCOPY),
        in_specs=[
            pl.BlockSpec(memory_space=pltpu.MemorySpace.HBM),
            pl.BlockSpec(memory_space=pltpu.MemorySpace.HBM),
            pl.BlockSpec(memory_space=pltpu.MemorySpace.SMEM),
        ],
        out_specs=pl.BlockSpec(memory_space=pltpu.MemorySpace.HBM),
        out_shape=jax.ShapeDtypeStruct((b * h, s, d), cache.dtype),
        scratch_shapes=[
            pltpu.SemaphoreType.DMA((_NCOPY,)),
            pltpu.SemaphoreType.DMA,
        ],
    )(cache3, upd3, pos)
    return out3.reshape(b, h, s, d)

# --- scband reference (transcript-rebuilt; emitter-appended) ---
"""Pipeline reference for scband-repro-11879879543049 (READ-ONLY COPY).

The authoritative reference and input builder live on the scoring server;
editing this copy changes nothing except your own understanding.
"""

import jax, jax.numpy as jnp
import numpy as np

BSZ, N_HEADS, MAX_SEQ_LEN, HEAD_DIM = 8, 16, 4096, 64
SEQLEN = 16

def setup_inputs(seed: int = 0) -> dict:
    key = jax.random.key(seed)
    k1, k2 = jax.random.split(key, 2)
    cache = jnp.zeros((BSZ, N_HEADS, MAX_SEQ_LEN, HEAD_DIM), dtype=jnp.float32)
    update = jax.random.normal(k1, (BSZ, N_HEADS, SEQLEN, HEAD_DIM), dtype=jnp.float32)
    pos = jax.random.randint(k2, (1,), 0, MAX_SEQ_LEN - SEQLEN, dtype=jnp.int32)
    return {"cache": cache, "update": update, "pos": pos}

def reference(cache, update, pos):
    # Faithful translation of: cat([cache[:, :, :pos], update, cache[:, :, pos+seqlen:]], dim=2)
    # which is exactly a dynamic slice overwrite along the sequence axis.
    pos_item = pos[0]
    zero = jnp.zeros((), dtype=pos_item.dtype)
    out = jax.lax.dynamic_update_slice(cache, update, (zero, zero, pos_item, zero))
    return out

if __name__ == "__main__":
    import jax
    _d = setup_inputs()
    print(jax.jit(kernel)(*tuple(_d.values())))

</pallas_src>

<mosaic_0001>
module attributes {stable_mosaic.version = 14 : i64} {
  func.func @_body(%arg0: memref<128x4096x64xf32, #tpu.memory_space<hbm>>, %arg1: memref<128x16x64xf32, #tpu.memory_space<hbm>>, %arg2: memref<1xi32, #tpu.memory_space<smem>>, %arg3: memref<128x4096x64xf32, #tpu.memory_space<hbm>>, %arg4: memref<8x!tpu.dma_semaphore, #tpu.memory_space<semaphore_mem>>, %arg5: memref<!tpu.dma_semaphore, #tpu.memory_space<semaphore_mem>>) attributes {dimension_semantics = [], scalar_prefetch = 0 : i64, scratch_operands = 2 : i64, tpu.core_type = #tpu.core_type<tc>} {
    %dma_start3A = arith.constant 0 : i32
    %dma_start3A_0 = tpu.memref_slice %arg4[%dma_start3A] : memref<8x!tpu.dma_semaphore, #tpu.memory_space<semaphore_mem>> -> memref<1x!tpu.dma_semaphore, #tpu.memory_space<semaphore_mem>>
    %dma_start3A_1 = tpu.memref_squeeze %dma_start3A_0 : memref<1x!tpu.dma_semaphore, #tpu.memory_space<semaphore_mem>> -> memref<!tpu.dma_semaphore, #tpu.memory_space<semaphore_mem>>
    %dma_start3A_2 = arith.constant 0 : i32
    %dma_start3A_3 = arith.constant 0 : i32
    %dma_start3A_4 = arith.constant 0 : i32
    %dma_start3A_5 = tpu.memref_slice %arg3[%dma_start3A_2, %dma_start3A_3, %dma_start3A_4] : memref<128x4096x64xf32, #tpu.memory_space<hbm>> -> memref<16x4096x64xf32, #tpu.memory_space<hbm>>
    %dma_start3A_6 = arith.constant 0 : i32
    %dma_start3A_7 = arith.constant 0 : i32
    %dma_start3A_8 = arith.constant 0 : i32
    %dma_start3A_9 = tpu.memref_slice %arg0[%dma_start3A_6, %dma_start3A_7, %dma_start3A_8] : memref<128x4096x64xf32, #tpu.memory_space<hbm>> -> memref<16x4096x64xf32, #tpu.memory_space<hbm>>
    tpu.enqueue_dma source(%dma_start3A_9 : memref<16x4096x64xf32, #tpu.memory_space<hbm>>) target(%dma_start3A_5 : memref<16x4096x64xf32, #tpu.memory_space<hbm>>) target_semaphore(%dma_start3A_1 : memref<!tpu.dma_semaphore, #tpu.memory_space<semaphore_mem>>)
    %dma_start3A_10 = arith.constant 1 : i32
    %dma_start3A_11 = tpu.memref_slice %arg4[%dma_start3A_10] : memref<8x!tpu.dma_semaphore, #tpu.memory_space<semaphore_mem>> -> memref<1x!tpu.dma_semaphore, #tpu.memory_space<semaphore_mem>>
    %dma_start3A_12 = tpu.memref_squeeze %dma_start3A_11 : memref<1x!tpu.dma_semaphore, #tpu.memory_space<semaphore_mem>> -> memref<!tpu.dma_semaphore, #tpu.memory_space<semaphore_mem>>
    %dma_start3A_13 = arith.constant 16 : i32
    %dma_start3A_14 = arith.constant 0 : i32
    %dma_start3A_15 = arith.constant 0 : i32
    %dma_start3A_16 = tpu.memref_slice %arg3[%dma_start3A_13, %dma_start3A_14, %dma_start3A_15] : memref<128x4096x64xf32, #tpu.memory_space<hbm>> -> memref<16x4096x64xf32, #tpu.memory_space<hbm>>
    %dma_start3A_17 = arith.constant 16 : i32
    %dma_start3A_18 = arith.constant 0 : i32
    %dma_start3A_19 = arith.constant 0 : i32
    %dma_start3A_20 = tpu.memref_slice %arg0[%dma_start3A_17, %dma_start3A_18, %dma_start3A_19] : memref<128x4096x64xf32, #tpu.memory_space<hbm>> -> memref<16x4096x64xf32, #tpu.memory_space<hbm>>
    tpu.enqueue_dma source(%dma_start3A_20 : memref<16x4096x64xf32, #tpu.memory_space<hbm>>) target(%dma_start3A_16 : memref<16x4096x64xf32, #tpu.memory_space<hbm>>) target_semaphore(%dma_start3A_12 : memref<!tpu.dma_semaphore, #tpu.memory_space<semaphore_mem>>)
    %dma_start3A_21 = arith.constant 2 : i32
    %dma_start3A_22 = tpu.memref_slice %arg4[%dma_start3A_21] : memref<8x!tpu.dma_semaphore, #tpu.memory_space<semaphore_mem>> -> memref<1x!tpu.dma_semaphore, #tpu.memory_space<semaphore_mem>>
    %dma_start3A_23 = tpu.memref_squeeze %dma_start3A_22 : memref<1x!tpu.dma_semaphore, #tpu.memory_space<semaphore_mem>> -> memref<!tpu.dma_semaphore, #tpu.memory_space<semaphore_mem>>
    %dma_start3A_24 = arith.constant 32 : i32
    %dma_start3A_25 = arith.constant 0 : i32
    %dma_start3A_26 = arith.constant 0 : i32
    %dma_start3A_27 = tpu.memref_slice %arg3[%dma_start3A_24, %dma_start3A_25, %dma_start3A_26] : memref<128x4096x64xf32, #tpu.memory_space<hbm>> -> memref<16x4096x64xf32, #tpu.memory_space<hbm>>
    %dma_start3A_28 = arith.constant 32 : i32
    %dma_start3A_29 = arith.constant 0 : i32
    %dma_start3A_30 = arith.constant 0 : i32
    %dma_start3A_31 = tpu.memref_slice %arg0[%dma_start3A_28, %dma_start3A_29, %dma_start3A_30] : memref<128x4096x64xf32, #tpu.memory_space<hbm>> -> memref<16x4096x64xf32, #tpu.memory_space<hbm>>
    tpu.enqueue_dma source(%dma_start3A_31 : memref<16x4096x64xf32, #tpu.memory_space<hbm>>) target(%dma_start3A_27 : memref<16x4096x64xf32, #tpu.memory_space<hbm>>) target_semaphore(%dma_start3A_23 : memref<!tpu.dma_semaphore, #tpu.memory_space<semaphore_mem>>)
    %dma_start3A_32 = arith.constant 3 : i32
    %dma_start3A_33 = tpu.memref_slice %arg4[%dma_start3A_32] : memref<8x!tpu.dma_semaphore, #tpu.memory_space<semaphore_mem>> -> memref<1x!tpu.dma_semaphore, #tpu.memory_space<semaphore_mem>>
    %dma_start3A_34 = tpu.memref_squeeze %dma_start3A_33 : memref<1x!tpu.dma_semaphore, #tpu.memory_space<semaphore_mem>> -> memref<!tpu.dma_semaphore, #tpu.memory_space<semaphore_mem>>
    %dma_start3A_35 = arith.constant 48 : i32
    %dma_start3A_36 = arith.constant 0 : i32
    %dma_start3A_37 = arith.constant 0 : i32
    %dma_start3A_38 = tpu.memref_slice %arg3[%dma_start3A_35, %dma_start3A_36, %dma_start3A_37] : memref<128x4096x64xf32, #tpu.memory_space<hbm>> -> memref<16x4096x64xf32, #tpu.memory_space<hbm>>
    %dma_start3A_39 = arith.constant 48 : i32
    %dma_start3A_40 = arith.constant 0 : i32
    %dma_start3A_41 = arith.constant 0 : i32
    %dma_start3A_42 = tpu.memref_slice %arg0[%dma_start3A_39, %dma_start3A_40, %dma_start3A_41] : memref<128x4096x64xf32, #tpu.memory_space<hbm>> -> memref<16x4096x64xf32, #tpu.memory_space<hbm>>
    tpu.enqueue_dma source(%dma_start3A_42 : memref<16x4096x64xf32, #tpu.memory_space<hbm>>) target(%dma_start3A_38 : memref<16x4096x64xf32, #tpu.memory_space<hbm>>) target_semaphore(%dma_start3A_34 : memref<!tpu.dma_semaphore, #tpu.memory_space<semaphore_mem>>)
    %dma_start3A_43 = arith.constant 4 : i32
    %dma_start3A_44 = tpu.memref_slice %arg4[%dma_start3A_43] : memref<8x!tpu.dma_semaphore, #tpu.memory_space<semaphore_mem>> -> memref<1x!tpu.dma_semaphore, #tpu.memory_space<semaphore_mem>>
    %dma_start3A_45 = tpu.memref_squeeze %dma_start3A_44 : memref<1x!tpu.dma_semaphore, #tpu.memory_space<semaphore_mem>> -> memref<!tpu.dma_semaphore, #tpu.memory_space<semaphore_mem>>
    %dma_start3A_46 = arith.constant 64 : i32
    %dma_start3A_47 = arith.constant 0 : i32
    %dma_start3A_48 = arith.constant 0 : i32
    %dma_start3A_49 = tpu.memref_slice %arg3[%dma_start3A_46, %dma_start3A_47, %dma_start3A_48] : memref<128x4096x64xf32, #tpu.memory_space<hbm>> -> memref<16x4096x64xf32, #tpu.memory_space<hbm>>
    %dma_start3A_50 = arith.constant 64 : i32
    %dma_start3A_51 = arith.constant 0 : i32
    %dma_start3A_52 = arith.constant 0 : i32
    %dma_start3A_53 = tpu.memref_slice %arg0[%dma_start3A_50, %dma_start3A_51, %dma_start3A_52] : memref<128x4096x64xf32, #tpu.memory_space<hbm>> -> memref<16x4096x64xf32, #tpu.memory_space<hbm>>
    tpu.enqueue_dma source(%dma_start3A_53 : memref<16x4096x64xf32, #tpu.memory_space<hbm>>) target(%dma_start3A_49 : memref<16x4096x64xf32, #tpu.memory_space<hbm>>) target_semaphore(%dma_start3A_45 : memref<!tpu.dma_semaphore, #tpu.memory_space<semaphore_mem>>)
    %dma_start3A_54 = arith.constant 5 : i32
    %dma_start3A_55 = tpu.memref_slice %arg4[%dma_start3A_54] : memref<8x!tpu.dma_semaphore, #tpu.memory_space<semaphore_mem>> -> memref<1x!tpu.dma_semaphore, #tpu.memory_space<semaphore_mem>>
    %dma_start3A_56 = tpu.memref_squeeze %dma_start3A_55 : memref<1x!tpu.dma_semaphore, #tpu.memory_space<semaphore_mem>> -> memref<!tpu.dma_semaphore, #tpu.memory_space<semaphore_mem>>
    %dma_start3A_57 = arith.constant 80 : i32
    %dma_start3A_58 = arith.constant 0 : i32
    %dma_start3A_59 = arith.constant 0 : i32
    %dma_start3A_60 = tpu.memref_slice %arg3[%dma_start3A_57, %dma_start3A_58, %dma_start3A_59] : memref<128x4096x64xf32, #tpu.memory_space<hbm>> -> memref<16x4096x64xf32, #tpu.memory_space<hbm>>
    %dma_start3A_61 = arith.constant 80 : i32
    %dma_start3A_62 = arith.constant 0 : i32
    %dma_start3A_63 = arith.constant 0 : i32
    %dma_start3A_64 = tpu.memref_slice %arg0[%dma_start3A_61, %dma_start3A_62, %dma_start3A_63] : memref<128x4096x64xf32, #tpu.memory_space<hbm>> -> memref<16x4096x64xf32, #tpu.memory_space<hbm>>
    tpu.enqueue_dma source(%dma_start3A_64 : memref<16x4096x64xf32, #tpu.memory_space<hbm>>) target(%dma_start3A_60 : memref<16x4096x64xf32, #tpu.memory_space<hbm>>) target_semaphore(%dma_start3A_56 : memref<!tpu.dma_semaphore, #tpu.memory_space<semaphore_mem>>)
    %dma_start3A_65 = arith.constant 6 : i32
    %dma_start3A_66 = tpu.memref_slice %arg4[%dma_start3A_65] : memref<8x!tpu.dma_semaphore, #tpu.memory_space<semaphore_mem>> -> memref<1x!tpu.dma_semaphore, #tpu.memory_space<semaphore_mem>>
    %dma_start3A_67 = tpu.memref_squeeze %dma_start3A_66 : memref<1x!tpu.dma_semaphore, #tpu.memory_space<semaphore_mem>> -> memref<!tpu.dma_semaphore, #tpu.memory_space<semaphore_mem>>
    %dma_start3A_68 = arith.constant 96 : i32
    %dma_start3A_69 = arith.constant 0 : i32
    %dma_start3A_70 = arith.constant 0 : i32
    %dma_start3A_71 = tpu.memref_slice %arg3[%dma_start3A_68, %dma_start3A_69, %dma_start3A_70] : memref<128x4096x64xf32, #tpu.memory_space<hbm>> -> memref<16x4096x64xf32, #tpu.memory_space<hbm>>
    %dma_start3A_72 = arith.constant 96 : i32
    %dma_start3A_73 = arith.constant 0 : i32
    %dma_start3A_74 = arith.constant 0 : i32
    %dma_start3A_75 = tpu.memref_slice %arg0[%dma_start3A_72, %dma_start3A_73, %dma_start3A_74] : memref<128x4096x64xf32, #tpu.memory_space<hbm>> -> memref<16x4096x64xf32, #tpu.memory_space<hbm>>
    tpu.enqueue_dma source(%dma_start3A_75 : memref<16x4096x64xf32, #tpu.memory_space<hbm>>) target(%dma_start3A_71 : memref<16x4096x64xf32, #tpu.memory_space<hbm>>) target_semaphore(%dma_start3A_67 : memref<!tpu.dma_semaphore, #tpu.memory_space<semaphore_mem>>)
    %dma_start3A_76 = arith.constant 7 : i32
    %dma_start3A_77 = tpu.memref_slice %arg4[%dma_start3A_76] : memref<8x!tpu.dma_semaphore, #tpu.memory_space<semaphore_mem>> -> memref<1x!tpu.dma_semaphore, #tpu.memory_space<semaphore_mem>>
    %dma_start3A_78 = tpu.memref_squeeze %dma_start3A_77 : memref<1x!tpu.dma_semaphore, #tpu.memory_space<semaphore_mem>> -> memref<!tpu.dma_semaphore, #tpu.memory_space<semaphore_mem>>
    %dma_start3A_79 = arith.constant 112 : i32
    %dma_start3A_80 = arith.constant 0 : i32
    %dma_start3A_81 = arith.constant 0 : i32
    %dma_start3A_82 = tpu.memref_slice %arg3[%dma_start3A_79, %dma_start3A_80, %dma_start3A_81] : memref<128x4096x64xf32, #tpu.memory_space<hbm>> -> memref<16x4096x64xf32, #tpu.memory_space<hbm>>
    %dma_start3A_83 = arith.constant 112 : i32
    %dma_start3A_84 = arith.constant 0 : i32
    %dma_start3A_85 = arith.constant 0 : i32
    %dma_start3A_86 = tpu.memref_slice %arg0[%dma_start3A_83, %dma_start3A_84, %dma_start3A_85] : memref<128x4096x64xf32, #tpu.memory_space<hbm>> -> memref<16x4096x64xf32, #tpu.memory_space<hbm>>
    tpu.enqueue_dma source(%dma_start3A_86 : memref<16x4096x64xf32, #tpu.memory_space<hbm>>) target(%dma_start3A_82 : memref<16x4096x64xf32, #tpu.memory_space<hbm>>) target_semaphore(%dma_start3A_78 : memref<!tpu.dma_semaphore, #tpu.memory_space<semaphore_mem>>)
    %dma_wait3A = arith.constant 0 : i32
    %dma_wait3A_87 = tpu.memref_slice %arg4[%dma_wait3A] : memref<8x!tpu.dma_semaphore, #tpu.memory_space<semaphore_mem>> -> memref<1x!tpu.dma_semaphore, #tpu.memory_space<semaphore_mem>>
    %dma_wait3A_88 = tpu.memref_squeeze %dma_wait3A_87 : memref<1x!tpu.dma_semaphore, #tpu.memory_space<semaphore_mem>> -> memref<!tpu.dma_semaphore, #tpu.memory_space<semaphore_mem>>
    %dma_wait3A_89 = arith.constant 0 : i32
    %dma_wait3A_90 = arith.constant 0 : i32
    %dma_wait3A_91 = arith.constant 0 : i32
    %dma_wait3A_92 = tpu.memref_slice %arg3[%dma_wait3A_89, %dma_wait3A_90, %dma_wait3A_91] : memref<128x4096x64xf32, #tpu.memory_space<hbm>> -> memref<16x4096x64xf32, #tpu.memory_space<hbm>>
    %dma_wait3A_93 = arith.constant 0 : i32
    %dma_wait3A_94 = arith.constant 0 : i32
    %dma_wait3A_95 = arith.constant 0 : i32
    %dma_wait3A_96 = tpu.memref_slice %arg0[%dma_wait3A_93, %dma_wait3A_94, %dma_wait3A_95] : memref<128x4096x64xf32, #tpu.memory_space<hbm>> -> memref<16x4096x64xf32, #tpu.memory_space<hbm>>
    tpu.wait_dma2 semaphore(%dma_wait3A_88 : memref<!tpu.dma_semaphore, #tpu.memory_space<semaphore_mem>>) src(%dma_wait3A_96 : memref<16x4096x64xf32, #tpu.memory_space<hbm>>) dst(%dma_wait3A_92 : memref<16x4096x64xf32, #tpu.memory_space<hbm>>)
    %dma_wait3A_97 = arith.constant 1 : i32
    %dma_wait3A_98 = tpu.memref_slice %arg4[%dma_wait3A_97] : memref<8x!tpu.dma_semaphore, #tpu.memory_space<semaphore_mem>> -> memref<1x!tpu.dma_semaphore, #tpu.memory_space<semaphore_mem>>
    %dma_wait3A_99 = tpu.memref_squeeze %dma_wait3A_98 : memref<1x!tpu.dma_semaphore, #tpu.memory_space<semaphore_mem>> -> memref<!tpu.dma_semaphore, #tpu.memory_space<semaphore_mem>>
    %dma_wait3A_100 = arith.constant 16 : i32
    %dma_wait3A_101 = arith.constant 0 : i32
    %dma_wait3A_102 = arith.constant 0 : i32
    %dma_wait3A_103 = tpu.memref_slice %arg3[%dma_wait3A_100, %dma_wait3A_101, %dma_wait3A_102] : memref<128x4096x64xf32, #tpu.memory_space<hbm>> -> memref<16x4096x64xf32, #tpu.memory_space<hbm>>
    %dma_wait3A_104 = arith.constant 16 : i32
    %dma_wait3A_105 = arith.constant 0 : i32
    %dma_wait3A_106 = arith.constant 0 : i32
    %dma_wait3A_107 = tpu.memref_slice %arg0[%dma_wait3A_104, %dma_wait3A_105, %dma_wait3A_106] : memref<128x4096x64xf32, #tpu.memory_space<hbm>> -> memref<16x4096x64xf32, #tpu.memory_space<hbm>>
    tpu.wait_dma2 semaphore(%dma_wait3A_99 : memref<!tpu.dma_semaphore, #tpu.memory_space<semaphore_mem>>) src(%dma_wait3A_107 : memref<16x4096x64xf32, #tpu.memory_space<hbm>>) dst(%dma_wait3A_103 : memref<16x4096x64xf32, #tpu.memory_space<hbm>>)
    %dma_wait3A_108 = arith.constant 2 : i32
    %dma_wait3A_109 = tpu.memref_slice %arg4[%dma_wait3A_108] : memref<8x!tpu.dma_semaphore, #tpu.memory_space<semaphore_mem>> -> memref<1x!tpu.dma_semaphore, #tpu.memory_space<semaphore_mem>>
    %dma_wait3A_110 = tpu.memref_squeeze %dma_wait3A_109 : memref<1x!tpu.dma_semaphore, #tpu.memory_space<semaphore_mem>> -> memref<!tpu.dma_semaphore, #tpu.memory_space<semaphore_mem>>
    %dma_wait3A_111 = arith.constant 32 : i32
    %dma_wait3A_112 = arith.constant 0 : i32
    %dma_wait3A_113 = arith.constant 0 : i32
    %dma_wait3A_114 = tpu.memref_slice %arg3[%dma_wait3A_111, %dma_wait3A_112, %dma_wait3A_113] : memref<128x4096x64xf32, #tpu.memory_space<hbm>> -> memref<16x4096x64xf32, #tpu.memory_space<hbm>>
    %dma_wait3A_115 = arith.constant 32 : i32
    %dma_wait3A_116 = arith.constant 0 : i32
    %dma_wait3A_117 = arith.constant 0 : i32
    %dma_wait3A_118 = tpu.memref_slice %arg0[%dma_wait3A_115, %dma_wait3A_116, %dma_wait3A_117] : memref<128x4096x64xf32, #tpu.memory_space<hbm>> -> memref<16x4096x64xf32, #tpu.memory_space<hbm>>
    tpu.wait_dma2 semaphore(%dma_wait3A_110 : memref<!tpu.dma_semaphore, #tpu.memory_space<semaphore_mem>>) src(%dma_wait3A_118 : memref<16x4096x64xf32, #tpu.memory_space<hbm>>) dst(%dma_wait3A_114 : memref<16x4096x64xf32, #tpu.memory_space<hbm>>)
    %dma_wait3A_119 = arith.constant 3 : i32
    %dma_wait3A_120 = tpu.memref_slice %arg4[%dma_wait3A_119] : memref<8x!tpu.dma_semaphore, #tpu.memory_space<semaphore_mem>> -> memref<1x!tpu.dma_semaphore, #tpu.memory_space<semaphore_mem>>
    %dma_wait3A_121 = tpu.memref_squeeze %dma_wait3A_120 : memref<1x!tpu.dma_semaphore, #tpu.memory_space<semaphore_mem>> -> memref<!tpu.dma_semaphore, #tpu.memory_space<semaphore_mem>>
    %dma_wait3A_122 = arith.constant 48 : i32
    %dma_wait3A_123 = arith.constant 0 : i32
    %dma_wait3A_124 = arith.constant 0 : i32
    %dma_wait3A_125 = tpu.memref_slice %arg3[%dma_wait3A_122, %dma_wait3A_123, %dma_wait3A_124] : memref<128x4096x64xf32, #tpu.memory_space<hbm>> -> memref<16x4096x64xf32, #tpu.memory_space<hbm>>
    %dma_wait3A_126 = arith.constant 48 : i32
    %dma_wait3A_127 = arith.constant 0 : i32
    %dma_wait3A_128 = arith.constant 0 : i32
    %dma_wait3A_129 = tpu.memref_slice %arg0[%dma_wait3A_126, %dma_wait3A_127, %dma_wait3A_128] : memref<128x4096x64xf32, #tpu.memory_space<hbm>> -> memref<16x4096x64xf32, #tpu.memory_space<hbm>>
    tpu.wait_dma2 semaphore(%dma_wait3A_121 : memref<!tpu.dma_semaphore, #tpu.memory_space<semaphore_mem>>) src(%dma_wait3A_129 : memref<16x4096x64xf32, #tpu.memory_space<hbm>>) dst(%dma_wait3A_125 : memref<16x4096x64xf32, #tpu.memory_space<hbm>>)
    %dma_wait3A_130 = arith.constant 4 : i32
    %dma_wait3A_131 = tpu.memref_slice %arg4[%dma_wait3A_130] : memref<8x!tpu.dma_semaphore, #tpu.memory_space<semaphore_mem>> -> memref<1x!tpu.dma_semaphore, #tpu.memory_space<semaphore_mem>>
    %dma_wait3A_132 = tpu.memref_squeeze %dma_wait3A_131 : memref<1x!tpu.dma_semaphore, #tpu.memory_space<semaphore_mem>> -> memref<!tpu.dma_semaphore, #tpu.memory_space<semaphore_mem>>
    %dma_wait3A_133 = arith.constant 64 : i32
    %dma_wait3A_134 = arith.constant 0 : i32
    %dma_wait3A_135 = arith.constant 0 : i32
    %dma_wait3A_136 = tpu.memref_slice %arg3[%dma_wait3A_133, %dma_wait3A_134, %dma_wait3A_135] : memref<128x4096x64xf32, #tpu.memory_space<hbm>> -> memref<16x4096x64xf32, #tpu.memory_space<hbm>>
    %dma_wait3A_137 = arith.constant 64 : i32
    %dma_wait3A_138 = arith.constant 0 : i32
    %dma_wait3A_139 = arith.constant 0 : i32
    %dma_wait3A_140 = tpu.memref_slice %arg0[%dma_wait3A_137, %dma_wait3A_138, %dma_wait3A_139] : memref<128x4096x64xf32, #tpu.memory_space<hbm>> -> memref<16x4096x64xf32, #tpu.memory_space<hbm>>
    tpu.wait_dma2 semaphore(%dma_wait3A_132 : memref<!tpu.dma_semaphore, #tpu.memory_space<semaphore_mem>>) src(%dma_wait3A_140 : memref<16x4096x64xf32, #tpu.memory_space<hbm>>) dst(%dma_wait3A_136 : memref<16x4096x64xf32, #tpu.memory_space<hbm>>)
    %dma_wait3A_141 = arith.constant 5 : i32
    %dma_wait3A_142 = tpu.memref_slice %arg4[%dma_wait3A_141] : memref<8x!tpu.dma_semaphore, #tpu.memory_space<semaphore_mem>> -> memref<1x!tpu.dma_semaphore, #tpu.memory_space<semaphore_mem>>
    %dma_wait3A_143 = tpu.memref_squeeze %dma_wait3A_142 : memref<1x!tpu.dma_semaphore, #tpu.memory_space<semaphore_mem>> -> memref<!tpu.dma_semaphore, #tpu.memory_space<semaphore_mem>>
    %dma_wait3A_144 = arith.constant 80 : i32
    %dma_wait3A_145 = arith.constant 0 : i32
    %dma_wait3A_146 = arith.constant 0 : i32
    %dma_wait3A_147 = tpu.memref_slice %arg3[%dma_wait3A_144, %dma_wait3A_145, %dma_wait3A_146] : memref<128x4096x64xf32, #tpu.memory_space<hbm>> -> memref<16x4096x64xf32, #tpu.memory_space<hbm>>
    %dma_wait3A_148 = arith.constant 80 : i32
    %dma_wait3A_149 = arith.constant 0 : i32
    %dma_wait3A_150 = arith.constant 0 : i32
    %dma_wait3A_151 = tpu.memref_slice %arg0[%dma_wait3A_148, %dma_wait3A_149, %dma_wait3A_150] : memref<128x4096x64xf32, #tpu.memory_space<hbm>> -> memref<16x4096x64xf32, #tpu.memory_space<hbm>>
    tpu.wait_dma2 semaphore(%dma_wait3A_143 : memref<!tpu.dma_semaphore, #tpu.memory_space<semaphore_mem>>) src(%dma_wait3A_151 : memref<16x4096x64xf32, #tpu.memory_space<hbm>>) dst(%dma_wait3A_147 : memref<16x4096x64xf32, #tpu.memory_space<hbm>>)
    %dma_wait3A_152 = arith.constant 6 : i32
    %dma_wait3A_153 = tpu.memref_slice %arg4[%dma_wait3A_152] : memref<8x!tpu.dma_semaphore, #tpu.memory_space<semaphore_mem>> -> memref<1x!tpu.dma_semaphore, #tpu.memory_space<semaphore_mem>>
    %dma_wait3A_154 = tpu.memref_squeeze %dma_wait3A_153 : memref<1x!tpu.dma_semaphore, #tpu.memory_space<semaphore_mem>> -> memref<!tpu.dma_semaphore, #tpu.memory_space<semaphore_mem>>
    %dma_wait3A_155 = arith.constant 96 : i32
    %dma_wait3A_156 = arith.constant 0 : i32
    %dma_wait3A_157 = arith.constant 0 : i32
    %dma_wait3A_158 = tpu.memref_slice %arg3[%dma_wait3A_155, %dma_wait3A_156, %dma_wait3A_157] : memref<128x4096x64xf32, #tpu.memory_space<hbm>> -> memref<16x4096x64xf32, #tpu.memory_space<hbm>>
    %dma_wait3A_159 = arith.constant 96 : i32
    %dma_wait3A_160 = arith.constant 0 : i32
    %dma_wait3A_161 = arith.constant 0 : i32
    %dma_wait3A_162 = tpu.memref_slice %arg0[%dma_wait3A_159, %dma_wait3A_160, %dma_wait3A_161] : memref<128x4096x64xf32, #tpu.memory_space<hbm>> -> memref<16x4096x64xf32, #tpu.memory_space<hbm>>
    tpu.wait_dma2 semaphore(%dma_wait3A_154 : memref<!tpu.dma_semaphore, #tpu.memory_space<semaphore_mem>>) src(%dma_wait3A_162 : memref<16x4096x64xf32, #tpu.memory_space<hbm>>) dst(%dma_wait3A_158 : memref<16x4096x64xf32, #tpu.memory_space<hbm>>)
    %dma_wait3A_163 = arith.constant 7 : i32
    %dma_wait3A_164 = tpu.memref_slice %arg4[%dma_wait3A_163] : memref<8x!tpu.dma_semaphore, #tpu.memory_space<semaphore_mem>> -> memref<1x!tpu.dma_semaphore, #tpu.memory_space<semaphore_mem>>
    %dma_wait3A_165 = tpu.memref_squeeze %dma_wait3A_164 : memref<1x!tpu.dma_semaphore, #tpu.memory_space<semaphore_mem>> -> memref<!tpu.dma_semaphore, #tpu.memory_space<semaphore_mem>>
    %dma_wait3A_166 = arith.constant 112 : i32
    %dma_wait3A_167 = arith.constant 0 : i32
    %dma_wait3A_168 = arith.constant 0 : i32
    %dma_wait3A_169 = tpu.memref_slice %arg3[%dma_wait3A_166, %dma_wait3A_167, %dma_wait3A_168] : memref<128x4096x64xf32, #tpu.memory_space<hbm>> -> memref<16x4096x64xf32, #tpu.memory_space<hbm>>
    %dma_wait3A_170 = arith.constant 112 : i32
    %dma_wait3A_171 = arith.constant 0 : i32
    %dma_wait3A_172 = arith.constant 0 : i32
    %dma_wait3A_173 = tpu.memref_slice %arg0[%dma_wait3A_170, %dma_wait3A_171, %dma_wait3A_172] : memref<128x4096x64xf32, #tpu.memory_space<hbm>> -> memref<16x4096x64xf32, #tpu.memory_space<hbm>>
    tpu.wait_dma2 semaphore(%dma_wait3A_165 : memref<!tpu.dma_semaphore, #tpu.memory_space<semaphore_mem>>) src(%dma_wait3A_173 : memref<16x4096x64xf32, #tpu.memory_space<hbm>>) dst(%dma_wait3A_169 : memref<16x4096x64xf32, #tpu.memory_space<hbm>>)
    %get3A = arith.constant 0 : index
    %get3A_174 = memref.load %arg2[%get3A] : memref<1xi32, #tpu.memory_space<smem>>
    %dma_start3A_175 = arith.constant 0 : i32
    %dma_start3A_176 = arith.constant 0 : i32
    %dma_start3A_177 = tpu.memref_slice %arg3[%dma_start3A_175, %get3A_174, %dma_start3A_176] : memref<128x4096x64xf32, #tpu.memory_space<hbm>> -> memref<128x16x64xf32, #tpu.memory_space<hbm>>
    tpu.enqueue_dma source(%arg1 : memref<128x16x64xf32, #tpu.memory_space<hbm>>) target(%dma_start3A_177 : memref<128x16x64xf32, #tpu.memory_space<hbm>>) target_semaphore(%arg5 : memref<!tpu.dma_semaphore, #tpu.memory_space<semaphore_mem>>)
    %dma_wait3A_178 = arith.constant 0 : i32
    %dma_wait3A_179 = arith.constant 0 : i32
    %dma_wait3A_180 = tpu.memref_slice %arg3[%dma_wait3A_178, %get3A_174, %dma_wait3A_179] : memref<128x4096x64xf32, #tpu.memory_space<hbm>> -> memref<128x16x64xf32, #tpu.memory_space<hbm>>
    tpu.wait_dma2 semaphore(%arg5 : memref<!tpu.dma_semaphore, #tpu.memory_space<semaphore_mem>>) src(%arg1 : memref<128x16x64xf32, #tpu.memory_space<hbm>>) dst(%dma_wait3A_180 : memref<128x16x64xf32, #tpu.memory_space<hbm>>)
    return
  }
}

</mosaic_0001>

<sc_bundles>
// kernel: sparse-core-data-format-call.cloned.1.call-start
scs
called_computation_lowered:
.L_overlay_start_0:
0x0: {  	s2 =	sld [smem:$0x3FD9]  }
0x1: {  	s3 =	sld [smem:$0x3FFE];
	_ =	sdelay $0x1  }
0x2: {  	s1 =	srdreg.scid  }
0x3: {  	s0 =	sand.u32 $0x1, s1  }
0x4: {  	s18 =	sshll.u32 s0, $0xA;
	s2 =	sadd.s32 s3, s2  }
0x5: {  	s2 =	sadd.s32 s2, s18  }
0x6: {  	[smem:$0x3FC5] =	sst s2  }
0x7: {  	_ = 	snop  }
0x8: {  	s2 =	sld [smem:$0x3FD0];
	(tm) =	ssettm $0x1  }
0x9: {  	s19 =	sld [smem:$0x3FFB];
	_ =	sdelay $0x3  }
0xa: {  	_ =	strace s19  }
0xb: {  	s3 =	sld [smem:$0x3FFC];
	_ =	sdelay $0x3  }
0xc: {  	_ =	strace s3  }
0xd: {  	s3 =	sld [smem:$0x3FFD];
	_ =	sdelay $0x3  }
0xe: {  	_ =	strace s3  }
0xf: {  	_ =	strace $0x8FFFFFFF  }
0x10: {  	s20 =	sld [smem:$0x3FDB];
	_ =	sdelay $0x1  }
0x11: {  	s4 =	simm.s32 $_scs_section_size  }
0x12: {  	s5 =	simm.s32 $_size__tile_overlayer_lowered;
	s6 =	simm.s32 $_tile_overlayer_lowered  }
0x13: {  	s23 =	simm.s32 $0x1BFF;
	s22 =	sshll.u32 s6, $0x1;
	s3 =	sadd.s32 s4, s20  }
0x14: {  	s7 =	simm.s32 $0x0;
	s21 =	sshll.u32 s5, $0x1;
	s5 =	sadd.s32 s22, s3  }
0x15: {  	[timem:s7], [sflag:s23] =	dma.local [hbm:s5], s21  }
0x16: {  	_ =	swait.ge [sflag:s23], s21  }
0x17: {  	s4 =	ssub.s32 $0x0, s21;
	[sflag:s23] =	ssyncset.done $0x0  }
0x18: {  	[sflag:s23] =	ssyncadd.s32 s4;
	_ =	sdelay $0x1  }
0x19: {  	s24 =	simm.s32 $0x1B8B  }
0x1a: {  	_ =	swait.ge [sflag:s24], $0x1  }
0x1b: {  	[sflag:s24] =	ssyncset.done $0x0  }
0x1c: {  	s26 =	simm.s32 $0x1B8E;
	s25 =	sld [smem:$0x3FFE];
	[sflag:s24] =	ssyncadd.s32 $0xFFFFFFFF  }
0x1d: {  	s27 =	simm.s32 $execute0_lowered;
	[smem:$0x3FD2] =	sst s26  }
0x1e: {  	s5 =	sshll.u32 s27, $0x1;
	_ =	strace $0x80000046;
	[dreg:$0x1] =	wrdreg $0xFFFFFFFF  }
0x1f: {  	s28 =	simm.s32 $_size_execute0_lowered;
	s3 =	sadd.s32 s3, s5;
	[dreg:$0x0] =	wrdreg $0x0  }
0x20: {  	s5 =	sshll.u32 s28, $0x1;
	[dreg:$0x2] =	wrdreg s3  }
0x21: {  	[dreg:$0x3] =	wrdreg s5  }
0x22: {  	[dreg:$0x4] =	wrdreg $0xC0  }
0x23: {  	_ =	task [dreg:s7], $0x5FFFF  }
0x24: {  	[dreg:$0x1] =	wrdreg $0xFFFFFFFF  }
0x25: {  	[dreg:$0x0] =	wrdreg $0x60  }
0x26: {  	[dreg:$0x2] =	wrdreg s25  }
0x27: {  	[dreg:$0x3] =	wrdreg s2  }
0x28: {  	[dreg:$0x4] =	wrdreg $0x9  }
0x29: {  	_ =	task.clear_ibuf [dreg:s7], $0x5FFFF;
	_ =	strace $0x90000046  }
0x2a: {  	s29 =	simm.s32 $0x9;
	_ =	strace $0x80000048  }
0x2b: {  	_ =	swait.ge [sflag:s29], $0x1  }
0x2c: {  	[sflag:s29] =	ssyncadd.s32 $0xFFFFFFFF  }
0x2d: {  	_ =	strace $0x90000048  }
0x2e: {  	_ =	sfence  }
0x2f: {  	s30 =	sld [smem:$0x0];
	_ =	sdelay $0x2  }
0x30: {  	s31 =	sshll.u32 s1, $0xD;
	s1 =	sshrl.u32 s1, $0x2  }
0x31: {  	s3 =	sand.u32 $0x4000, s31;
	s1 =	sadd.s32 s1, s30  }
0x32: {  	s0 =	sor.u32 s3, s0;
	s1 =	sshll.u32 s1, $0x11  }
0x33: {  	s0 =	sor.u32 s1, s0  }
0x34: {  	s0 =	sadd.s32 $0x8F2B, s0  }
0x35: {  	[sflag:s0] =	ssyncadd.remote.s32 $0x1  }
0x36: {  	_ =	sfence.sel $0xFFFF  }
0x37: {  	[dreg:$0x0] =	wrdreg $0xFFFFFFFF;
	(pc) =	sbr.abs _section_cstart, $3  }
0x38: {  	[dreg:$0x1] =	wrdreg $0xFFFFFFFF  }
0x39: {  	_ =	task.clear_ibuf [dreg:s7], $0x2FFFF;
	_ =	strace $0x9FFFFFFF  }
0x3a: {  	(tm) =	ssettm $0x7FFFFFFF  }
0x3b: {  	_ =	shalt  }
tec
execute0_lowered:
.L_overlay_start_1:
0x0: {  	(tag) =	ssettag $0x1  }
0x1: {  	s1 =	srdreg.scid  }
0x2: {  	s0 =	stileid.u32;
	s8 =	rddreg [dreg:$0x0]  }
0x3: {  	s2 =	rddreg [dreg:$0x1];
	s7 =	simm.s32 $0x1;
	s1 =	sshll.u32 s1, $0x4  }
0x4: {  	s9 =	simm.s32 $0x2;
	s15 =	simm.s32 $0x0;
	s1 =	sor.u32 s0, s1  }
0x5: {  	s10 =	simm.s32 $0x8000;
	s16 =	simm.s32 $0x0;
	s1 =	sshrl.u32 s1, $0x2  }
0x6: {  	s17 =	simm.s32 $0x0;
	s11 =	simm.s32 $0x0;
	s3 =	sand.u32 $0x6, s1  }
0x7: {  	s14 =	simm.s32 $0x0;
	s4 =	sadd.s32 $0x800600, s8;
	s6 =	ssub.s32 $0x10, s3  }
0x8: {  	s8 =	sadd.s32 $0x810600, s8;
	s1 =	rddreg [dreg:$0x2];
	s5 =	sand.u32 $0x6, s6  }
.Ltmp0:
0x9: {  	_ =	strace $0x80000047;
	p0 =	sne.s32 s5, $0x0;
	(pc) =	sbr.rel .LBB1_1-.Ltmp0, $4  }
0xa: {  	s6 =	sshrl.u32 s6, $0x3;
	s5 =	simm.s32 $0x1;
	s7 =	simm.s32 @!p0 $0x0  }
0xb: {  	s12 =	smov.u32 s3;
	[sflag:s5] =	ssyncpa.u1 $0x0;
	s7 =	sadd.s32 s7, s6  }
0xc: {  	p0 =	por $0x0, $0x0;
	s6 =	sand.u32 $0x7, s0;
	s7 =	sshll.u32 s7, $0x5  }
0xd: {  	[sflag:s9] =	ssyncpa.u1 $0x0;
	s13 =	smov.u32 s6;
	s9 =	sor.u32 $0x1, s7  }
.LBB1_7:
0xe: {  	s18 =	sadd.s32 $0x80, s11  }
0xf: {  	s15 =	sadd.s32 $0x8, s12;
	s19 =	smov.u32 s12;
	p2 =	sgt.s32 s18, $0xFFF  }
0x10: {  	s19 =	smov.u32 @p2 s15  }
0x11: {  	s21 =	smov.u32 s13;
	s15 =	sadd.s32 $0x8, s13;
	p3 =	sgt.s32 s19, $0xF  }
0x12: {  	s21 =	smov.u32 @p3 s15  }
0x13: {  	s18 =	simm.s32 @p2 $0x0;
	p2 =	sgt.s32 s21, $0x7  }
0x14: {  	p1 =	slt.u32 s14, $0x2;
	s21 =	smov.u32 @p2 s6;
	p2 =	sne.s32 s14, s9  }
.Ltmp1:
0x15: {  	s20 =	simm.s32 @!p1 $0x2;
	(pc) =	sbr.rel @!p2 .LBB1_8-.Ltmp1, $4  }
0x16: {  	s16 =	smov.u32 s12;
	s17 =	smov.u32 s13;
	_ =	swait.ge @!p1 [sflag:s20], $0x4000  }
0x17: {  	p0 =	por !p0, !p0;
	[sflag:s20] =	ssyncset.done @!p1 $0x0;
	s19 =	smov.u32 @p3 s3  }
0x18: {  	s15 =	smov.u32 s11;
	[sflag:s20] =	ssyncadd.s32 @!p1 $0xFFFFC000;
	s11 =	smov.u32 s18  }
0x19: {  	s12 =	smov.u32 s19;
	s14 =	sadd.s32 $0x1, s14;
	s13 =	smov.u32 s21  }
.LBB1_1:
0x1a: {  	p1 =	sge.u32 s14, s7  }
0x1b: {  	s18 =	sxor.u32 @!p1 $0xFFFFFFFF, s14;
	s19 =	sshll.u32 @!p1 s13, $0x14  }
0x1c: {  	s20 =	sshll.u32 @!p1 s12, $0x10;
	s22 =	sshll.u32 @!p1 s11, $0x4;
	s23 =	simm.s32 @!p1 $0x40  }
0x1d: {  	s24 =	simm.s32 @!p1 $0x80;
	s18 =	sshll.u32 @!p1 s18, $0xE;
	s21 =	sadd.s32 @!p1 s19, s20  }
0x1e: {  	s22 =	sand.u32 @!p1 $0xFFF0, s22;
	s19 =	sadd.s32 @!p1 s19, s8;
	s21 =	sadd.s32 @!p1 s4, s21  }
0x1f: {  	s18 =	sand.u32 @!p1 $0x4000, s18;
	s19 =	sadd.s32 @!p1 s20, s19;
	s21 =	sadd.s32 @!p1 s22, s21  }
0x20: {  	[tilespmem:s18], [sflag:$0x1] =	stream.strided.gather @!p1 [hbm4b:s21+s23], $0x2000, s24, s23, $0x38;
	[tilespmem:$0x10100] =	vst v63  }
0x21: {  	s31 =	sadd.s32 $0xFFFFFFFF, s14;
	s19 =	sadd.s32 @!p1 s22, s19;
	s18 =	sor.u32 @!p1 $0x2000, s18  }
0x22: {  	[tilespmem:s18], [sflag:$0x1] =	stream.strided.gather @!p1 [hbm4b:s19+s23], $0x2000, s24, s23, $0x38;
	[tilespmem:$0x10100] =	vst v63  }
0x23: {  	p1 =	sge.u32 s31, s7  }
.Ltmp2:
0x24: {  	_ = 	snop;
	(pc) =	sbr.rel @p1 .LBB1_7-.Ltmp2, $1  }
0x25: {  	_ =	sdelay $0x3  }
0x26: {  	s18 =	simm.s32 $0x1;
	s20 =	sand.u32 $0x1, s14  }
0x27: {  	_ =	swait.ge [sflag:s5], $0x4000;
	s18 =	simm.s32 @!p0 $0x0;
	s20 =	smul.u32 $0x10200, s20  }
0x28: {  	p2 =	por $0x1, $0x1;
	[sflag:s5] =	ssyncset.done $0x0;
	s19 =	smul.u32 $0x10200, s18  }
0x29: {  	s21 =	sshll.u32 s18, $0x10;
	[sflag:s5] =	ssyncadd.s32 $0xFFFFC000;
	s30 =	sshrl.u32 s20, $0x2  }
0x2a: {  	s31 =	sshrl.u32 s21, $0x2;
	s21 =	simm.s32 $0x0;
	s19 =	sshrl.u32 s19, $0x2  }
0x2b: {  	s18 =	sor.u32 $0x8000, s30;
	s20 =	sadd.s32 $0x20, s31;
	s19 =	sor.u32 $0x8000, s19  }
.LBB1_3:
0x2c: {  	s22 =	sshll.u32 s21, $0xD  }
0x2d: {  	s22 =	sand.u32 $0x3FFFE000, s22  }
0x2e: {  	s24 =	sadd.s32 s22, s20  }
0x2f: {  	s31 =	smul.u32 $0x8100, s21;
	v3 =	vld [tilespmem:s24+$0x10]  }
0x30: {  	v1 =	vld [tilespmem:s24+$0xFFFFFFF0]  }
0x31: {  	s21 =	sshra.s32 s31, $0x2;
	v0 =	vld [tilespmem:s24+$0x0]  }
0x32: {  	s21 =	sadd.s32 s21, s19;
	v2 =	vld [tilespmem:s24+$0xFFFFFFE0]  }
0x33: {  	s22 =	sadd.s32 $0x0, s21  }
0x34: {  	p1 =	por p2, p2;
	s23 =	simm.s32 $0x4;
	s24 =	sadd.s32 $0x40, s24;
	[tilespmem:s22+$0x1830 ss:$0x81] =	vst.msk $0xffff, v3  }
.LBB1_4:
0x35: {  	v3 =	vld [tilespmem:s24+$0x10];
	p2 =	sne.s32 s23, $0x1FC;
	[tilespmem:s22+$0x810 ss:$0x81] =	vst.msk $0xffff, v1;
	s25 =	smov.u32 s23;
	s23 =	sadd.s32 $0x4, s23  }
.Ltmp3:
0x36: {  	v1 =	vld [tilespmem:s24+$0xFFFFFFF0];
	[tilespmem:s22+$0x1020 ss:$0x81] =	vst.msk $0xffff, v0;
	(pc) =	sbr.rel @p2 .LBB1_4-.Ltmp3, $4  }
0x37: {  	v0 =	vld [tilespmem:s24+$0x0];
	[tilespmem:s22+$0x0 ss:$0x81] =	vst.msk $0xffff, v2  }
0x38: {  	s22 =	sshra.s32 s25, $0x2;
	v2 =	vld [tilespmem:s24+$0xFFFFFFE0]  }
0x39: {  	s22 =	sadd.s32 s22, s21  }
0x3a: {  	s24 =	sadd.s32 $0x40, s24;
	[tilespmem:s22+$0x1830 ss:$0x81] =	vst.msk $0xffff, v3  }
.Ltmp4:
0x3b: {  	(pc) =	sbr.rel @p1 .LBB1_3-.Ltmp4, $4  }
0x3c: {  	_ = 	snop  }
0x3d: {  	[tilespmem:s22+$0x810 ss:$0x81] =	vst.msk $0xffff, v1  }
0x3e: {  	[tilespmem:s22+$0x1020 ss:$0x81] =	vst.msk $0xffff, v0  }
0x3f: {  	s21 =	simm.s32 $0x1;
	p2 =	por $0x0, $0x0;
	[tilespmem:s22+$0x0 ss:$0x81] =	vst.msk $0xffff, v2  }
0x40: {  	s19 =	sshll.u32 s15, $0x3;
	s20 =	sand.u32 $0x78, s15  }
0x41: {  	s17 =	sshll.u32 s17, $0x13;
	s16 =	sshll.u32 s16, $0xF;
	s29 =	sand.u32 $0x7E00, s15  }
.Ltmp5:
0x42: {  	s19 =	sand.u32 $0xC00, s19;
	s17 =	sadd.s32 s2, s17;
	(pc) =	sbr.rel .LBB1_7-.Ltmp5, $4  }
0x43: {  	s30 =	sand.u32 $0x7, s15;
	s19 =	sor.u32 s20, s19;
	s16 =	sadd.s32 s16, s17  }
0x44: {  	s15 =	sshll.u32 s30, $0x12;
	s31 =	sshrl.u32 s19, $0x3;
	s16 =	sadd.s32 s29, s16  }
0x45: {  	s15 =	sor.u32 $0x400, s15;
	s16 =	sadd.s32 s31, s16  }
0x46: {  	[hbm4b:s16+s15] =	stream.strided.scatter [tilespmem:s18], [sflag:$0x2], $0x4000, s10, s15, $0x20;
	[tilespmem:$0x10100] =	vst v63  }
.LBB1_8:
0x47: {  	_ =	sfence.sel $0x180000  }
0x48: {  	s2 =	simm.s32 $0x1;
	[bflag:$0x0] =	sbarrier.arrive $0xFFFF  }
0x49: {  	s31 =	simm.s32 $0x2;
	[sflag:s2] =	ssyncpa.u1 $0x1  }
0x4a: {  	[sflag:s31] =	ssyncpa.u1 $0x1  }
0x4b: {  	p0 =	sne.s32 s0, $0x0;
	_ =	strace $0x90000047  }
0x4c: {  	s0 =	sadd.s32 @!p0 $0x100000, s1;
	[bflag:$0x2] =	sbarrier.arrive $0xFFFF  }
0x4d: {  	[sflag:s0] =	ssyncadd.tile.s32 @!p0 $0x1;
	_ =	shalt  }
.Lfunc_end1:
_tile_overlayer_lowered:
.L_overlay_start_2:
0x4e: {  	(tag) =	ssettag $0x2  }
0x4f: {  	s0 =	rddreg [dreg:$0x0];
	s2 =	stileid.u32  }
0x50: {  	s1 =	rddreg [dreg:$0x1];
	p0 =	sne.s32 s2, $0x0  }
0x51: {  	s3 =	rddreg [dreg:$0x2];
	[bflag:$0x3] =	sbarrier.arrive $0xFFFF;
	s2 =	simm.s32 @!p0 $0x1C01  }
0x52: {  	[timem:s3], [sflag:s2] =	dma.local @!p0 [hbm:s0], s1  }
0x53: {  	s0 =	simm.s32 @!p0 $0x1  }
0x54: {  	_ =	swait.ge @!p0 [sflag:s0], s1  }
0x55: {  	s1 =	ssub.s32 @!p0 $0x0, s1;
	[sflag:s0] =	ssyncset.done @!p0 $0x0  }
0x56: {  	[sflag:s0] =	ssyncadd.s32 @!p0 s1  }
0x57: {  	[bflag:$0x3] =	sbarrier.arrive $0xFFFF  }
0x58: {  	_ =	shalt  }

</sc_bundles>
